<compile_context>
chip_gen: v7x
topology: tpu7x:2x2x1
jax: 0.10.2.dev20260603
libtpu: 0.0.44.dev20260713+nightly
codegen_flags: <defaults>
</compile_context>

<pallas_src>
import functools

import jax
import jax.numpy as jnp
from jax import lax
from jax.experimental import pallas as pl
from jax.experimental.pallas import tpu as pltpu
from jax.experimental.pallas import tpu_sc as plsc

_BASE_GSD = 10.0

_NC = 1
_NS = 16
_NW = _NC * _NS
_ROWS_PAD = 256
_B_PER_W = _ROWS_PAD // _NW


def _sc_gather_table(table, gidx):
    mesh = plsc.VectorSubcoreMesh(core_axis_name="c", subcore_axis_name="s",
                                  num_cores=1)

    @functools.partial(
        pl.kernel,
        mesh=mesh,
        out_type=jax.ShapeDtypeStruct((_ROWS_PAD, 256), jnp.float32),
        scratch_types=[
            pltpu.VMEM((_B_PER_W,), jnp.int32),
            pltpu.VMEM((_B_PER_W, 256), jnp.float32),
            pltpu.SemaphoreType.DMA,
        ],
    )
    def sc_kernel(table_hbm, gidx_hbm, out_hbm, idx_v, rows_v, sem):
        wid = lax.axis_index("s") * _NC + lax.axis_index("c")
        base = wid * _B_PER_W
        pltpu.sync_copy(gidx_hbm.at[pl.ds(base, _B_PER_W)], idx_v)
        pltpu.async_copy(table_hbm.at[idx_v], rows_v, sem).wait()
        pltpu.sync_copy(rows_v, out_hbm.at[pl.ds(base, _B_PER_W)])

    return sc_kernel(table, gidx)


def _tc_body(x_ref, a_ref, angh_ref, angw_ref, o_ref):
    hb = angh_ref.shape[0]
    w = angw_ref.shape[0]
    angh = angh_ref[:, 0]
    angw = angw_ref[:, 0]
    eh = jnp.concatenate([jnp.sin(angh), jnp.cos(angh)], axis=-1)
    ew = jnp.concatenate([jnp.sin(angw), jnp.cos(angw)], axis=-1)
    sp = jnp.concatenate(
        [jnp.broadcast_to(eh[:, None, :], (hb, w, 128)),
         jnp.broadcast_to(ew[None, :, :], (hb, w, 128))], axis=-1)

    o_ref[:, :, :, :, 0:768] = x_ref[:, :, :, :, 0:768] + a_ref[...][None, None]
    o_ref[:, :, :, :, 768:1024] = (
        x_ref[:, :, :, :, 768:1024] + sp[:, :, None, None, :])


def kernel(modality_tokens, timestamps, channel_embed, pos_embed, month_table,
           patch_size, input_res):
    b, h, w, t, b_s, d = modality_tokens.shape
    n = d // 4
    half = n // 2
    ts = t * b_s

    n_ch = channel_embed.shape[0]
    n_pos = pos_embed.shape[0]
    table = jnp.concatenate(
        [channel_embed, pos_embed, month_table], axis=0).astype(jnp.float32)
    t_r = jnp.repeat(jnp.arange(t, dtype=jnp.int32), b_s)
    s_r = jnp.tile(jnp.arange(b_s, dtype=jnp.int32), t)
    mon = timestamps.astype(jnp.int32).T
    q0 = jnp.broadcast_to(s_r[:, None, None], (ts, b, 1))
    q1 = jnp.broadcast_to((n_ch + t_r)[:, None, None], (ts, b, 1))
    q2 = (n_ch + n_pos
          + jnp.broadcast_to(jnp.repeat(mon, b_s, axis=0)[:, :, None],
                             (ts, b, 1)))
    gidx = jnp.concatenate([q0, q1, q2], axis=-1).reshape(-1)
    gidx = jnp.concatenate(
        [gidx, jnp.zeros((_ROWS_PAD - gidx.shape[0],), jnp.int32)])

    a_flat = _sc_gather_table(table, gidx)
    a = a_flat[: ts * b * 3].reshape(ts, b, 3 * n)

    gsd_ratio = (input_res * patch_size) / _BASE_GSD
    omega = 1.0 / (10000.0 ** (jnp.arange(half // 2, dtype=jnp.float32)
                               / (half // 2)))
    ang_h = ((jnp.arange(h, dtype=jnp.float32) * gsd_ratio)[:, None]
             * omega[None, :]).reshape(h, 1, half // 2)
    ang_w = ((jnp.arange(w, dtype=jnp.float32) * gsd_ratio)[:, None]
             * omega[None, :]).reshape(w, 1, half // 2)

    hb = 2
    xt = modality_tokens.transpose(1, 2, 3, 4, 0, 5).reshape(h, w, ts, b, d)
    grid = (h // hb,)
    out = pl.pallas_call(
        _tc_body,
        grid=grid,
        in_specs=[
            pl.BlockSpec((hb, w, ts, b, d), lambda i: (i, 0, 0, 0, 0)),
            pl.BlockSpec((ts, b, 3 * n), lambda i: (0, 0, 0)),
            pl.BlockSpec((hb, 1, half // 2), lambda i: (i, 0, 0)),
            pl.BlockSpec((w, 1, half // 2), lambda i: (0, 0, 0)),
        ],
        out_specs=pl.BlockSpec((hb, w, ts, b, d), lambda i: (i, 0, 0, 0, 0)),
        out_shape=jax.ShapeDtypeStruct((h, w, ts, b, d), jnp.float32),
    )(xt, a, ang_h, ang_w)
    return (out.reshape(h, w, t, b_s, b, d)
            .transpose(4, 0, 1, 2, 3, 5))

# --- scband reference (transcript-rebuilt; emitter-appended) ---
"""Pipeline reference for scband-composite-encodings-13889924235298 (READ-ONLY COPY).

The authoritative reference and input builder live on the scoring server;
editing this copy changes nothing except your own understanding.
"""

import jax, jax.numpy as jnp
import numpy as np

BASE_GSD = 10.0
EMBED_SIZE = 1024
N = EMBED_SIZE // 4
MAX_SEQ = 24
NUM_BANDSETS = 3


def sincos_1d(pos, dim):
    half = dim // 2
    omega = 1.0 / (10000.0 ** (jnp.arange(half, dtype=jnp.float32) / half))
    ang = pos[:, None] * omega[None, :]
    return jnp.concatenate([jnp.sin(ang), jnp.cos(ang)], axis=-1)


def get_month_table(dim):
    angles = jnp.arange(12, dtype=jnp.float32) * (2.0 * np.pi / 12.0)
    half = dim // 2
    sin_t = jnp.repeat(jnp.sin(angles)[:, None], half, axis=1)
    cos_t = jnp.repeat(jnp.cos(angles)[:, None], half, axis=1)
    return jnp.concatenate([sin_t, cos_t], axis=-1)


def setup_inputs(seed: int = 0) -> dict:
    key = jax.random.key(seed)
    k1, k2, k3 = jax.random.split(key, 3)
    modality_tokens = jax.random.normal(k1, (2, 14, 14, 12, 3, EMBED_SIZE), dtype=jnp.float32)
    timestamps = jax.random.randint(k2, (2, 12), 0, 12)
    channel_embed = jax.random.uniform(k3, (NUM_BANDSETS, N), dtype=jnp.float32)
    pos_embed = sincos_1d(jnp.arange(MAX_SEQ, dtype=jnp.float32), N)
    month_table = get_month_table(N)
    return {
        "modality_tokens": modality_tokens,
        "timestamps": timestamps,
        "channel_embed": channel_embed,
        "pos_embed": pos_embed,
        "month_table": month_table,
        "patch_size": 16,
        "input_res": 10,
    }


def reference(modality_tokens, timestamps, channel_embed, pos_embed, month_table, patch_size, input_res):
    b, h, w, t, b_s, d = modality_tokens.shape
    n = d // 4
    embed = jnp.zeros_like(modality_tokens)
    # 1) channel (bandset) encodings -> dims [0:n]
    ch = jnp.broadcast_to(channel_embed[None, None, None, None, :, :], (b, h, w, t, b_s, n))
    embed = embed.at[..., 0:n].add(ch)
    # 2) 1D sincos temporal position encodings -> dims [n:2n]
    pos = pos_embed[:t]
    embed = embed.at[..., n:2 * n].add(
        jnp.broadcast_to(pos[None, None, None, :, None, :], (b, h, w, t, b_s, n))
    )
    # 3) month embedding lookup -> dims [2n:3n]
    month = jnp.take(month_table, timestamps, axis=0)  # [b, t, n]
    embed = embed.at[..., 2 * n:3 * n].add(
        jnp.broadcast_to(month[:, None, None, :, None, :], (b, h, w, t, b_s, n))
    )
    # 4) 2D sincos spatial encodings with GSD scaling -> dims [3n:4n]
    gsd_ratio = (input_res * patch_size) / BASE_GSD
    half = n // 2
    emb_h = sincos_1d(jnp.arange(h, dtype=jnp.float32) * gsd_ratio, half)
    emb_w = sincos_1d(jnp.arange(w, dtype=jnp.float32) * gsd_ratio, half)
    spatial = jnp.concatenate(
        [
            jnp.broadcast_to(emb_h[:, None, :], (h, w, half)),
            jnp.broadcast_to(emb_w[None, :, :], (h, w, half)),
        ],
        axis=-1,
    )
    embed = embed.at[..., 3 * n:4 * n].add(
        jnp.broadcast_to(spatial[None, :, :, None, None, :], (b, h, w, t, b_s, n))
    )
    return modality_tokens + embed

if __name__ == "__main__":
    import jax
    _d = setup_inputs()
    print(jax.jit(kernel)(*tuple(_d.values())))

</pallas_src>

<mosaic_0001>
#map = affine_map<(d0, d1) -> (0, 0)>
#map1 = affine_map<(d0, d1) -> (0)>
module attributes {stable_mosaic.version = 14 : i64} {
  func.func @sc_kernel(%arg0: i32, %arg1: i32, %arg2: memref<39x256xf32, #tpu.memory_space<hbm>>, %arg3: memref<256xi32, #tpu.memory_space<hbm>>, %arg4: memref<256x256xf32, #tpu.memory_space<hbm>>, %arg5: memref<16xi32, #tpu.memory_space<vmem>>, %arg6: memref<16x256xf32, #tpu.memory_space<vmem>>, %arg7: memref<!tpu.dma_semaphore, #tpu.memory_space<semaphore_mem>>) attributes {dimension_semantics = [#tpu.dimension_semantics<core_parallel>, #tpu.dimension_semantics<subcore_parallel>], iteration_bounds = array<i64: 1, 16>, scalar_prefetch = 0 : i64, scratch_operands = 3 : i64, tpu.core_type = #tpu.core_type<sc_vector_subcore>, window_params = [{transform_indices = #map}, {transform_indices = #map1}, {transform_indices = #map}]} {
    %mul3A = arith.constant 1 : i32
    %mul3A_0 = arith.muli %arg1, %mul3A : i32
    %add3A = arith.addi %mul3A_0, %arg0 : i32
    %mul3A_1 = arith.constant 16 : i32
    %mul3A_2 = arith.muli %add3A, %mul3A_1 : i32
    "tpu.region"() ({
      %run_scoped3A = tpu.sem_alloc : memref<!tpu.dma_semaphore, #tpu.memory_space<semaphore_mem>>
      %dma_start3A_7 = tpu.memref_slice %arg3[%mul3A_2] : memref<256xi32, #tpu.memory_space<hbm>> -> memref<16xi32, #tpu.memory_space<hbm>>
      %dma_start3A_8 = tpu.memref_slice %arg3[%mul3A_2] : memref<256xi32, #tpu.memory_space<hbm>> -> memref<16xi32, #tpu.memory_space<hbm>>
      tpu.enqueue_dma source(%dma_start3A_8 : memref<16xi32, #tpu.memory_space<hbm>>) target(%arg5 : memref<16xi32, #tpu.memory_space<vmem>>) target_semaphore(%run_scoped3A : memref<!tpu.dma_semaphore, #tpu.memory_space<semaphore_mem>>)
      %dma_wait3A_9 = tpu.memref_slice %arg3[%mul3A_2] : memref<256xi32, #tpu.memory_space<hbm>> -> memref<16xi32, #tpu.memory_space<hbm>>
      %dma_wait3A_10 = tpu.memref_slice %arg3[%mul3A_2] : memref<256xi32, #tpu.memory_space<hbm>> -> memref<16xi32, #tpu.memory_space<hbm>>
      tpu.wait_dma2 semaphore(%run_scoped3A : memref<!tpu.dma_semaphore, #tpu.memory_space<semaphore_mem>>) src(%dma_wait3A_10 : memref<16xi32, #tpu.memory_space<hbm>>) dst(%arg5 : memref<16xi32, #tpu.memory_space<vmem>>)
      tpu.yield
    }) : () -> ()
    %dma_start3A = arith.constant 0 : i32
    %dma_start3A_3 = arith.constant 0 : i32
    %dma_start3A_4 = tpu.memref_slice %arg2[%dma_start3A, %dma_start3A_3] : memref<39x256xf32, #tpu.memory_space<hbm>> -> memref<39x256xf32, #tpu.memory_space<hbm>>
    tpu.enqueue_indirect_dma source(%dma_start3A_4 : memref<39x256xf32, #tpu.memory_space<hbm>>) target(%arg6 : memref<16x256xf32, #tpu.memory_space<vmem>>) offsets(%arg5 : memref<16xi32, #tpu.memory_space<vmem>>) semaphore(%arg7 : memref<!tpu.dma_semaphore, #tpu.memory_space<semaphore_mem>>)
    %dma_wait3A = arith.constant 0 : i32
    %dma_wait3A_5 = arith.constant 0 : i32
    %dma_wait3A_6 = tpu.memref_slice %arg2[%dma_wait3A, %dma_wait3A_5] : memref<39x256xf32, #tpu.memory_space<hbm>> -> memref<39x256xf32, #tpu.memory_space<hbm>>
    tpu.wait_indirect_dma semaphore(%arg7 : memref<!tpu.dma_semaphore, #tpu.memory_space<semaphore_mem>>) src(%dma_wait3A_6 : memref<39x256xf32, #tpu.memory_space<hbm>>) dst(%arg6 : memref<16x256xf32, #tpu.memory_space<vmem>>)
    "tpu.region"() ({
      %run_scoped3A = tpu.sem_alloc : memref<!tpu.dma_semaphore, #tpu.memory_space<semaphore_mem>>
      %dma_start3A_7 = arith.constant 0 : i32
      %dma_start3A_8 = tpu.memref_slice %arg4[%mul3A_2, %dma_start3A_7] : memref<256x256xf32, #tpu.memory_space<hbm>> -> memref<16x256xf32, #tpu.memory_space<hbm>>
      %dma_start3A_9 = arith.constant 0 : i32
      %dma_start3A_10 = tpu.memref_slice %arg4[%mul3A_2, %dma_start3A_9] : memref<256x256xf32, #tpu.memory_space<hbm>> -> memref<16x256xf32, #tpu.memory_space<hbm>>
      tpu.enqueue_dma source(%arg6 : memref<16x256xf32, #tpu.memory_space<vmem>>) target(%dma_start3A_10 : memref<16x256xf32, #tpu.memory_space<hbm>>) target_semaphore(%run_scoped3A : memref<!tpu.dma_semaphore, #tpu.memory_space<semaphore_mem>>)
      %dma_wait3A_11 = arith.constant 0 : i32
      %dma_wait3A_12 = tpu.memref_slice %arg4[%mul3A_2, %dma_wait3A_11] : memref<256x256xf32, #tpu.memory_space<hbm>> -> memref<16x256xf32, #tpu.memory_space<hbm>>
      %dma_wait3A_13 = arith.constant 0 : i32
      %dma_wait3A_14 = tpu.memref_slice %arg4[%mul3A_2, %dma_wait3A_13] : memref<256x256xf32, #tpu.memory_space<hbm>> -> memref<16x256xf32, #tpu.memory_space<hbm>>
      tpu.wait_dma2 semaphore(%run_scoped3A : memref<!tpu.dma_semaphore, #tpu.memory_space<semaphore_mem>>) src(%arg6 : memref<16x256xf32, #tpu.memory_space<vmem>>) dst(%dma_wait3A_14 : memref<16x256xf32, #tpu.memory_space<hbm>>)
      tpu.yield
    }) : () -> ()
    return
  }
}

module attributes {stable_mosaic.version = 14 : i64} {
  func.func @_tc_body(%arg0: i32, %arg1: memref<2x14x36x2x1024xf32, #tpu.memory_space<vmem>>, %arg2: memref<36x2x768xf32, #tpu.memory_space<vmem>>, %arg3: memref<2x1x64xf32, #tpu.memory_space<vmem>>, %arg4: memref<14x1x64xf32, #tpu.memory_space<vmem>>, %arg5: memref<2x14x36x2x1024xf32, #tpu.memory_space<vmem>>) attributes {dimension_semantics = [#tpu.dimension_semantics<arbitrary>], iteration_bounds = array<i64: 7>, scalar_prefetch = 0 : i64, scratch_operands = 0 : i64, tpu.core_type = #tpu.core_type<tc>, window_params = [{transform_indices = @transform_0, window_bounds = array<i64: 2, 14, 36, 2, 1024>}, {pipeline_mode = #tpu.pipeline_mode<synchronous>, transform_indices = @transform_1, window_bounds = array<i64: 36, 2, 768>}, {transform_indices = @transform_2, window_bounds = array<i64: 2, 1, 64>}, {pipeline_mode = #tpu.pipeline_mode<synchronous>, transform_indices = @transform_3, window_bounds = array<i64: 14, 1, 64>}, {transform_indices = @transform_4, window_bounds = array<i64: 2, 14, 36, 2, 1024>}]} {
    %get3A = arith.constant 0 : index
    %get3A_0 = arith.constant 0 : index
    %get3A_1 = arith.constant 0 : index
    %get3A_2 = vector.load %arg3[%get3A, %get3A_0, %get3A_1] : memref<2x1x64xf32, #tpu.memory_space<vmem>>, vector<2x1x64xf32>
    %get3A_3 = vector.shape_cast %get3A_2 : vector<2x1x64xf32> to vector<2x64xf32>
    %get3A_4 = arith.constant 0 : index
    %get3A_5 = arith.constant 0 : index
    %get3A_6 = arith.constant 0 : index
    %get3A_7 = vector.load %arg4[%get3A_4, %get3A_5, %get3A_6] : memref<14x1x64xf32, #tpu.memory_space<vmem>>, vector<14x1x64xf32>
    %get3A_8 = vector.shape_cast %get3A_7 : vector<14x1x64xf32> to vector<14x64xf32>
    %sin3A = math.sin %get3A_3 : vector<2x64xf32>
    %cos3A = math.cos %get3A_3 : vector<2x64xf32>
    %concatenate3A = tpu.concatenate %sin3A, %cos3A in 1 : vector<2x64xf32>, vector<2x64xf32> -> vector<2x128xf32>
    %sin3A_9 = math.sin %get3A_8 : vector<14x64xf32>
    %cos3A_10 = math.cos %get3A_8 : vector<14x64xf32>
    %concatenate3A_11 = tpu.concatenate %sin3A_9, %cos3A_10 in 1 : vector<14x64xf32>, vector<14x64xf32> -> vector<14x128xf32>
    %broadcast_in_dim3A = vector.shape_cast %concatenate3A : vector<2x128xf32> to vector<2x1x128xf32>
    %broadcast_in_dim3A_12 = vector.shape_cast %broadcast_in_dim3A : vector<2x1x128xf32> to vector<2x1x128xf32>
    %broadcast_in_dim3A_13 = vector.broadcast %broadcast_in_dim3A_12 : vector<2x1x128xf32> to vector<2x14x128xf32>
    %broadcast_in_dim3A_14 = vector.shape_cast %concatenate3A_11 : vector<14x128xf32> to vector<1x14x128xf32>
    %broadcast_in_dim3A_15 = vector.shape_cast %broadcast_in_dim3A_14 : vector<1x14x128xf32> to vector<1x14x128xf32>
    %broadcast_in_dim3A_16 = vector.broadcast %broadcast_in_dim3A_15 : vector<1x14x128xf32> to vector<2x14x128xf32>
    %concatenate3A_17 = tpu.concatenate %broadcast_in_dim3A_13, %broadcast_in_dim3A_16 in 2 : vector<2x14x128xf32>, vector<2x14x128xf32> -> vector<2x14x256xf32>
    %get3A_18 = arith.constant 0 : index
    %get3A_19 = arith.constant 0 : index
    %get3A_20 = arith.constant 0 : index
    %get3A_21 = arith.constant 0 : index
    %get3A_22 = arith.constant 0 : index
    %get3A_23 = vector.load %arg1[%get3A_18, %get3A_19, %get3A_20, %get3A_21, %get3A_22] : memref<2x14x36x2x1024xf32, #tpu.memory_space<vmem>>, vector<2x14x36x2x768xf32>
    %get3A_24 = arith.constant 0 : index
    %get3A_25 = arith.constant 0 : index
    %get3A_26 = arith.constant 0 : index
    %get3A_27 = vector.load %arg2[%get3A_24, %get3A_25, %get3A_26] : memref<36x2x768xf32, #tpu.memory_space<vmem>>, vector<36x2x768xf32>
    %broadcast_in_dim3A_28 = vector.shape_cast %get3A_27 : vector<36x2x768xf32> to vector<1x1x36x2x768xf32>
    %add3A = vector.broadcast %broadcast_in_dim3A_28 : vector<1x1x36x2x768xf32> to vector<2x14x36x2x768xf32>
    %add3A_29 = arith.addf %get3A_23, %add3A : vector<2x14x36x2x768xf32>
    %swap3A = arith.constant 0 : index
    %swap3A_30 = arith.constant 0 : index
    %swap3A_31 = arith.constant 0 : index
    %swap3A_32 = arith.constant 0 : index
    %swap3A_33 = arith.constant 0 : index
    %swap3A_34 = vector.load %arg5[%swap3A, %swap3A_30, %swap3A_31, %swap3A_32, %swap3A_33] : memref<2x14x36x2x1024xf32, #tpu.memory_space<vmem>>, vector<2x14x36x2x768xf32>
    tpu.vector_store %arg5[%swap3A, %swap3A_30, %swap3A_31, %swap3A_32, %swap3A_33], %add3A_29 {strides = array<i32>} : memref<2x14x36x2x1024xf32, #tpu.memory_space<vmem>>, vector<2x14x36x2x768xf32>,
    %get3A_35 = arith.constant 0 : index
    %get3A_36 = arith.constant 0 : index
    %get3A_37 = arith.constant 0 : index
    %get3A_38 = arith.constant 0 : index
    %get3A_39 = arith.constant 768 : index
    %get3A_40 = vector.load %arg1[%get3A_35, %get3A_36, %get3A_37, %get3A_38, %get3A_39] : memref<2x14x36x2x1024xf32, #tpu.memory_space<vmem>>, vector<2x14x36x2x256xf32>
    %broadcast_in_dim3A_41 = vector.shape_cast %concatenate3A_17 : vector<2x14x256xf32> to vector<2x14x1x1x256xf32>
    %add3A_42 = vector.broadcast %broadcast_in_dim3A_41 : vector<2x14x1x1x256xf32> to vector<2x14x36x2x256xf32>
    %add3A_43 = arith.addf %get3A_40, %add3A_42 : vector<2x14x36x2x256xf32>
    %swap3A_44 = arith.constant 0 : index
    %swap3A_45 = arith.constant 0 : index
    %swap3A_46 = arith.constant 0 : index
    %swap3A_47 = arith.constant 0 : index
    %swap3A_48 = arith.constant 768 : index
    %swap3A_49 = vector.load %arg5[%swap3A_44, %swap3A_45, %swap3A_46, %swap3A_47, %swap3A_48] : memref<2x14x36x2x1024xf32, #tpu.memory_space<vmem>>, vector<2x14x36x2x256xf32>
    tpu.vector_store %arg5[%swap3A_44, %swap3A_45, %swap3A_46, %swap3A_47, %swap3A_48], %add3A_43 {strides = array<i32>} : memref<2x14x36x2x1024xf32, #tpu.memory_space<vmem>>, vector<2x14x36x2x256xf32>,
    return
  }
  func.func @transform_0(%arg0: i32) -> (i32, i32, i32, i32, i32) {
    %c0_i32 = arith.constant 0 : i32
    %c0_i32_0 = arith.constant 0 : i32
    %c0_i32_1 = arith.constant 0 : i32
    %c0_i32_2 = arith.constant 0 : i32
    %c0_i32_3 = arith.constant 0 : i32
    return %arg0, %c0_i32, %c0_i32_0, %c0_i32_1, %c0_i32_2 : i32, i32, i32, i32, i32
  }
  func.func @transform_1(%arg0: i32) -> (i32, i32, i32) {
    %c0_i32 = arith.constant 0 : i32
    %c0_i32_0 = arith.constant 0 : i32
    %c0_i32_1 = arith.constant 0 : i32
    %c0_i32_2 = arith.constant 0 : i32
    return %c0_i32, %c0_i32_0, %c0_i32_1 : i32, i32, i32
  }
  func.func @transform_2(%arg0: i32) -> (i32, i32, i32) {
    %c0_i32 = arith.constant 0 : i32
    %c0_i32_0 = arith.constant 0 : i32
    %c0_i32_1 = arith.constant 0 : i32
    return %arg0, %c0_i32, %c0_i32_0 : i32, i32, i32
  }
  func.func @transform_3(%arg0: i32) -> (i32, i32, i32) {
    %c0_i32 = arith.constant 0 : i32
    %c0_i32_0 = arith.constant 0 : i32
    %c0_i32_1 = arith.constant 0 : i32
    %c0_i32_2 = arith.constant 0 : i32
    return %c0_i32, %c0_i32_0, %c0_i32_1 : i32, i32, i32
  }
  func.func @transform_4(%arg0: i32) -> (i32, i32, i32, i32, i32) {
    %c0_i32 = arith.constant 0 : i32
    %c0_i32_0 = arith.constant 0 : i32
    %c0_i32_1 = arith.constant 0 : i32
    %c0_i32_2 = arith.constant 0 : i32
    %c0_i32_3 = arith.constant 0 : i32
    return %arg0, %c0_i32, %c0_i32_0, %c0_i32_1, %c0_i32_2 : i32, i32, i32, i32, i32
  }
}

</mosaic_0001>

<sc_bundles>
// kernel: kernel.4.cloned.1.call-start
scs
__scs_entry_jumppad:
0x0: {  	(pc) =	sbr.rel $0x88, $3  }
0x1: {  	(tag) =	ssettag $0x0;
	lr =	simm.s32 $0x1  }
0x2: {  	[smem:$0x3F9A] =	sst lr;
	_ =	strace $0xD0000000  }
0x3: {  	_ = 	snop  }
0x4: {  	_ = 	snop  }
0x5: {  	_ = 	snop  }
0x6: {  	_ = 	snop  }
0x7: {  	_ = 	snop  }
__scs_overlays_trampoline_lowered:
0x8: {  	[smem:$0x3FA9] =	sst s0  }
0x9: {  	[smem:$0x3FAA] =	sst s1  }
0xa: {  	[smem:$0x3FAB] =	sst s2  }
0xb: {  	[smem:$0x3FAC] =	sst s3  }
0xc: {  	[smem:$0x3FAD] =	sst s4  }
0xd: {  	[smem:$0x3FAE] =	sst s5  }
0xe: {  	[smem:$0x3FAF] =	sst s6  }
0xf: {  	[smem:$0x3FB0] =	sst s7  }
0x10: {  	[smem:$0x3FB1] =	sst s8  }
0x11: {  	[smem:$0x3FB2] =	sst s9;
	s0 =	simm.s32 @!p0 $0x0  }
0x12: {  	s1 =	sld [smem:$0x3F98];
	s0 =	simm.s32 @p0 $0x1  }
0x13: {  	[smem:$0x3FB3] =	sst s0;
	s0 =	simm.s32 @!p1 $0x0  }
0x14: {  	s2 =	sld [smem:$0x3F97];
	s0 =	simm.s32 @p1 $0x1  }
0x15: {  	[smem:$0x3FB4] =	sst s0;
	s0 =	simm.s32 @!p2 $0x0  }
0x16: {  	s3 =	sld [smem:$0x3FDB];
	s0 =	simm.s32 @p2 $0x1  }
0x17: {  	s4 =	simm.s32 $0x1BF5;
	[smem:$0x3FB6] =	sst s0  }
0x18: {  	s0 =	sld [smem:$0x3F99];
	_ =	swait.ge [sflag:s4], $0x0  }
0x19: {  	s7 =	sld [smem:$0x3F9A]  }
0x1a: {  	s8 =	sadd.s32 $0xFFFFE003, lr  }
0x1b: {  	s9 =	sadd.s32 $0xFFFFFEF7, lr;
	s5 =	simm.s32 $0xFFFFFFFF;
	p2 =	slt.u32 s8, $0xFFFFF086  }
0x1c: {  	p1 =	slt.u32 s9, $0xF7A;
	s5 =	simm.s32 @!p2 $0x0  }
0x1d: {  	s5 =	simm.s32 @p1 $0x1;
	p0 =	seq.s32 s7, s2  }
0x1e: {  	s7 =	smul.u32 @!p0 $0xF7A, s2;
	p2 =	seq.s32 @!p0 s5, $0x0  }
0x1f: {  	s9 =	smul.u32 $0xF7A, s1;
	s8 =	simm.s32 @!p0 $0x1BF5;
	p2 =	por !p2, p0  }
0x20: {  	[sflag:s8] =	ssyncset.s32 @!p0 $0xFFFFF086;
	s6 =	sadd.s32 @!p0 s3, s7;
	s7 =	simm.s32 @!p0 $0x108  }
0x21: {  	s3 =	sadd.s32 s3, s9;
	s6 =	sadd.s32 @!p0 $0x88, s6;
	s7 =	simm.s32 @p2 $0x1082  }
0x22: {  	[simem:s7], [sflag:s8] =	dma.local @!p0 [hbm:s6], $0xF7A  }
0x23: {  	s9 =	sor.u32 $0xD0000000, s2;
	s6 =	simm.s32 $0x108;
	_ =	swait.ge @!p0 [sflag:s8], $0x0  }
0x24: {  	s3 =	sadd.s32 $0x88, s3;
	s6 =	simm.s32 @!p1 $0x1082;
	[sflag:s4] =	ssyncset.s32 $0xFFFFF086  }
0x25: {  	[simem:s6], [sflag:s4] =	dma.local [hbm:s3], $0xF7A  }
0x26: {  	[smem:$0x3F9A] =	sst s1;
	(tag) =	ssettag s2;
	_ =	strace s9  }
0x27: {  	s1 =	sld [smem:$0x3FAA]  }
0x28: {  	s2 =	sld [smem:$0x3FAB]  }
0x29: {  	s4 =	sld [smem:$0x3FAD]  }
0x2a: {  	p0 =	seq.s32 s5, $0x0;
	s5 =	sld [smem:$0x3FAE]  }
0x2b: {  	s6 =	sld [smem:$0x3FAF]  }
0x2c: {  	s7 =	sld [smem:$0x3FB0]  }
0x2d: {  	s3 =	simm.s32 $0x108;
	s8 =	sld [smem:$0x3FB1]  }
0x2e: {  	s3 =	simm.s32 @!p0 $0x1082;
	s9 =	sld [smem:$0x3FB2]  }
0x2f: {  	lr =	sadd.s32 s0, s3;
	s0 =	sld [smem:$0x3FA9]  }
0x30: {  	s3 =	sld [smem:$0x3FAC]  }
0x31: {  	[smem:$0x3FB5] =	sst s10  }
0x32: {  	s10 =	sld [smem:$0x3FB3];
	_ =	sdelay $0x3  }
0x33: {  	p0 =	seq.s32 s10, $0x1;
	s10 =	sld [smem:$0x3FB5];
	_ =	sdelay $0x3  }
0x34: {  	[smem:$0x3FB5] =	sst s10  }
0x35: {  	s10 =	sld [smem:$0x3FB4];
	_ =	sdelay $0x3  }
0x36: {  	p1 =	seq.s32 s10, $0x1;
	s10 =	sld [smem:$0x3FB5];
	_ =	sdelay $0x3  }
0x37: {  	[smem:$0x3FB5] =	sst s10  }
0x38: {  	s10 =	sld [smem:$0x3FB6]  }
0x39: {  	_ = 	snop;
	(pc) =	sbr.ind lr, $3  }
0x3a: {  	_ = 	snop  }
0x3b: {  	_ = 	snop  }
0x3c: {  	p2 =	seq.s32 s10, $0x1;
	s10 =	sld [smem:$0x3FB5]  }
0x3d: {  	_ =	shalt  }
0x3e: {  	_ =	shalt  }
0x3f: {  	_ =	shalt  }
0x40: {  	_ =	shalt  }
0x41: {  	_ =	shalt  }
0x42: {  	_ =	shalt  }
0x43: {  	_ =	shalt  }
0x44: {  	_ =	shalt  }
0x45: {  	_ =	shalt  }
0x46: {  	_ =	shalt  }
0x47: {  	_ =	shalt  }
0x48: {  	_ =	shalt  }
0x49: {  	_ =	shalt  }
0x4a: {  	_ =	shalt  }
0x4b: {  	_ =	shalt  }
0x4c: {  	_ =	shalt  }
0x4d: {  	_ =	shalt  }
0x4e: {  	_ =	shalt  }
0x4f: {  	_ =	shalt  }
0x50: {  	_ =	shalt  }
0x51: {  	_ =	shalt  }
0x52: {  	_ =	shalt  }
0x53: {  	_ =	shalt  }
0x54: {  	_ =	shalt  }
0x55: {  	_ =	shalt  }
0x56: {  	_ =	shalt  }
0x57: {  	_ =	shalt  }
0x58: {  	_ =	shalt  }
0x59: {  	_ =	shalt  }
0x5a: {  	_ =	shalt  }
0x5b: {  	_ =	shalt  }
0x5c: {  	_ =	shalt  }
0x5d: {  	_ =	shalt  }
0x5e: {  	_ =	shalt  }
0x5f: {  	_ =	shalt  }
0x60: {  	_ =	shalt  }
0x61: {  	_ =	shalt  }
0x62: {  	_ =	shalt  }
0x63: {  	_ =	shalt  }
0x64: {  	_ =	shalt  }
0x65: {  	_ =	shalt  }
0x66: {  	_ =	shalt  }
0x67: {  	_ =	shalt  }
0x68: {  	_ =	shalt  }
0x69: {  	_ =	shalt  }
0x6a: {  	_ =	shalt  }
0x6b: {  	_ =	shalt  }
0x6c: {  	_ =	shalt  }
0x6d: {  	_ =	shalt  }
0x6e: {  	_ =	shalt  }
0x6f: {  	_ =	shalt  }
0x70: {  	_ =	shalt  }
0x71: {  	_ =	shalt  }
0x72: {  	_ =	shalt  }
0x73: {  	_ =	shalt  }
0x74: {  	_ =	shalt  }
0x75: {  	_ =	shalt  }
0x76: {  	_ =	shalt  }
0x77: {  	_ =	shalt  }
0x78: {  	_ =	shalt  }
0x79: {  	_ =	shalt  }
0x7a: {  	_ =	shalt  }
0x7b: {  	_ =	shalt  }
0x7c: {  	_ =	shalt  }
0x7d: {  	_ =	shalt  }
0x7e: {  	_ =	shalt  }
0x7f: {  	_ =	shalt  }
0x80: {  	_ =	shalt  }
0x81: {  	_ =	shalt  }
0x82: {  	_ =	shalt  }
0x83: {  	_ =	shalt  }
0x84: {  	_ =	shalt  }
0x85: {  	_ =	shalt  }
0x86: {  	_ =	shalt  }
0x87: {  	_ =	shalt  }
.Lfunc_end0:
.L_simem_size_0:
called_computation_lowered:
.L_overlay_start_0:
0x88: {  	s0 =	sld [smem:$0x3FD9]  }
0x89: {  	s1 =	sld [smem:$0x3FFE];
	_ =	sdelay $0x3  }
0x8a: {  	s0 =	sadd.s32 s1, s0  }
0x8b: {  	[smem:$0x3FC1] =	sst s0  }
0x8c: {  	_ = 	snop  }
0x8d: {  	s0 =	sld [smem:$0x3FD0];
	(tm) =	ssettm $0x1  }
0x8e: {  	s16 =	sld [smem:$0x3FFB];
	_ =	sdelay $0x3  }
0x8f: {  	_ =	strace s16  }
0x90: {  	s1 =	sld [smem:$0x3FFC];
	_ =	sdelay $0x3  }
0x91: {  	_ =	strace s1  }
0x92: {  	s1 =	sld [smem:$0x3FFD];
	_ =	sdelay $0x3  }
0x93: {  	_ =	strace s1  }
0x94: {  	_ =	strace $0x8FFFFFFF  }
0x95: {  	s17 =	sld [smem:$0x3FDB];
	_ =	sdelay $0x1  }
0x96: {  	s2 =	simm.s32 $_scs_section_size  }
0x97: {  	s3 =	simm.s32 $_size__tile_overlayer_lowered;
	s4 =	simm.s32 $_tile_overlayer_lowered  }
0x98: {  	s20 =	simm.s32 $0x1BFF;
	s19 =	sshll.u32 s4, $0x1;
	s1 =	sadd.s32 s2, s17  }
0x99: {  	s5 =	simm.s32 $0x0;
	s18 =	sshll.u32 s3, $0x1;
	s3 =	sadd.s32 s19, s1  }
0x9a: {  	[timem:s5], [sflag:s20] =	dma.local [hbm:s3], s18  }
0x9b: {  	_ =	swait.ge [sflag:s20], s18  }
0x9c: {  	s2 =	ssub.s32 $0x0, s18;
	[sflag:s20] =	ssyncset.done $0x0  }
0x9d: {  	[sflag:s20] =	ssyncadd.s32 s2;
	_ =	sdelay $0x1  }
0x9e: {  	s21 =	simm.s32 $0x1B8B  }
0x9f: {  	_ =	swait.ge [sflag:s21], $0x1  }
0xa0: {  	[sflag:s21] =	ssyncset.done $0x0  }
0xa1: {  	s23 =	simm.s32 $0x1B8E;
	s22 =	sld [smem:$0x3FFE];
	[sflag:s21] =	ssyncadd.s32 $0xFFFFFFFF  }
0xa2: {  	s24 =	simm.s32 $execute0_lowered;
	[smem:$0x3FD2] =	sst s23  }
0xa3: {  	s3 =	sshll.u32 s24, $0x1;
	_ =	strace $0x80000046;
	[dreg:$0x1] =	wrdreg $0xFFFFFFFF  }
0xa4: {  	s25 =	simm.s32 $_size_execute0_lowered;
	s1 =	sadd.s32 s1, s3;
	[dreg:$0x0] =	wrdreg $0x0  }
0xa5: {  	s3 =	sshll.u32 s25, $0x1;
	[dreg:$0x2] =	wrdreg s1  }
0xa6: {  	[dreg:$0x3] =	wrdreg s3  }
0xa7: {  	[dreg:$0x4] =	wrdreg $0xC0  }
0xa8: {  	_ =	task [dreg:s5], $0x5FFFF  }
0xa9: {  	[dreg:$0x1] =	wrdreg $0xFFFFFFFF  }
0xaa: {  	[dreg:$0x0] =	wrdreg $0x60  }
0xab: {  	[dreg:$0x2] =	wrdreg s22  }
0xac: {  	[dreg:$0x3] =	wrdreg s0  }
0xad: {  	[dreg:$0x4] =	wrdreg $0x9  }
0xae: {  	_ =	task.clear_ibuf [dreg:s5], $0x5FFFF;
	_ =	strace $0x90000046  }
0xaf: {  	s26 =	simm.s32 $0x9;
	_ =	strace $0x80000048  }
0xb0: {  	_ =	swait.ge [sflag:s26], $0x1  }
0xb1: {  	[sflag:s26] =	ssyncadd.s32 $0xFFFFFFFF  }
0xb2: {  	_ =	strace $0x90000048  }
0xb3: {  	_ =	sfence  }
0xb4: {  	s28 =	sld [smem:$0x0];
	_ =	sdelay $0x1  }
0xb5: {  	s29 =	srdreg.scid  }
0xb6: {  	s30 =	sshll.u32 s29, $0xD;
	s31 =	sshrl.u32 s29, $0x2  }
0xb7: {  	s2 =	sand.u32 $0x4000, s30;
	s1 =	sand.u32 $0x1, s29;
	s0 =	sadd.s32 s31, s28  }
0xb8: {  	s1 =	sor.u32 s2, s1;
	s0 =	sshll.u32 s0, $0x11  }
0xb9: {  	s0 =	sor.u32 s0, s1  }
0xba: {  	s0 =	sadd.s32 $0x8F2B, s0  }
0xbb: {  	[sflag:s0] =	ssyncadd.remote.s32 $0x1  }
0xbc: {  	_ =	sfence.sel $0xFFFF  }
0xbd: {  	[dreg:$0x0] =	wrdreg $0xFFFFFFFF;
	(pc) =	sbr.abs _section_cstart, $3  }
0xbe: {  	[dreg:$0x1] =	wrdreg $0xFFFFFFFF  }
0xbf: {  	_ =	task.clear_ibuf [dreg:s5], $0x2FFFF;
	_ =	strace $0x9FFFFFFF  }
0xc0: {  	(tm) =	ssettm $0x7FFFFFFF  }
0xc1: {  	_ =	shalt  }
tec
execute0_lowered:
.L_overlay_start_1:
0x0: {  	(tag) =	ssettag $0x1  }
0x1: {  	s0 =	rddreg [dreg:$0x0]  }
0x2: {  	s1 =	rddreg [dreg:$0x1];
	s2 =	stileid.u32  }
0x3: {  	s3 =	rddreg [dreg:$0x2];
	s4 =	simm.s32 $0x0;
	s5 =	sshll.u32 s2, $0x1  }
0x4: {  	[smem:$0x7FF] =	sst s4;
	s5 =	sadd.s32 s5, s0  }
0x5: {  	s29 =	simm.s32 $0x2;
	_ =	strace $0x80000047;
	s5 =	sadd.s32 $0x400, s5  }
0x6: {  	[tilespmem:s4], [sflag:$0x2] =	stream.linear.gather [hbm4b:s5+s4], $0x10, $0x38;
	[tilespmem:$0x1080] =	vst v63  }
0x7: {  	_ =	swait.ge [sflag:s29], $0x10  }
0x8: {  	[sflag:s29] =	ssyncset.done $0x0  }
0x9: {  	[sflag:s29] =	ssyncadd.s32 $0xFFFFFFF0  }
0xa: {  	v0 =	vld [tilespmem:$0x0];
	_ =	sdelay $0x4  }
0xb: {  	v1 =	vshll.u32 v0, $0x1  }
0xc: {  	v2 =	vlaneseq.u32;
	v0 =	vand.u32 $0x7, v0;
	v1 =	vand.u32 $0xFFFFFFF0, v1  }
0xd: {  	v63 =	vand.u32 $0x7, v2;
	v3 =	vshrl.u32 v2, $0x3;
	v0 =	vor.u32 v0, v1  }
0xe: {  	v3 =	vmul.u32 $0x8, v3;
	v1 =	vperm.xlane v0, v63  }
0xf: {  	v2 =	vor.u32 $0x8, v2  }
0x10: {  	v0 =	vperm.xlane v0, v2;
	v1 =	vadd.s32 v3, v1;
	_ =	sdelay $0x1  }
0x11: {  	v0 =	vadd.s32 v3, v0;
	_ =	sdelay $0x1  }
0x12: {  	vm0 =	vmmov $0xffff;
	s6 =	simm.s32 $0x80;
	s0 =	sadd.s32 $0x600, s0  }
0x13: {  	[tilespmem:s6], [sflag:$0x1] =	stream.indirect_vreg.gather [hbm4b:s0+s4], $0x80, v1, vm0, $0xb8;
	[tilespmem:$0x1080] =	vst v63  }
0x14: {  	s7 =	simm.s32 $0x880;
	s30 =	simm.s32 $0x1  }
0x15: {  	[tilespmem:s7], [sflag:$0x1] =	stream.indirect_vreg.gather [hbm4b:s0+s4], $0x80, v0, vm0, $0xb8;
	[tilespmem:$0x1080] =	vst v63  }
0x16: {  	_ =	swait.ge [sflag:s30], $0x1000  }
0x17: {  	s31 =	sshll.u32 s2, $0x9;
	[sflag:s30] =	ssyncset.done $0x0  }
0x18: {  	s1 =	sadd.s32 s1, s31;
	[sflag:s30] =	ssyncadd.s32 $0xFFFFF000  }
0x19: {  	[hbm4b:s1+s4] =	stream.linear.scatter [tilespmem:s6], [sflag:$0x2], $0x1000, $0x38;
	[tilespmem:$0x1080] =	vst v63  }
0x1a: {  	_ =	swait.ge [sflag:s29], $0x1000  }
0x1b: {  	[sflag:s29] =	ssyncset.done $0x0  }
0x1c: {  	[sflag:s29] =	ssyncadd.s32 $0xFFFFF000  }
0x1d: {  	_ =	sfence.sel $0x180000  }
0x1e: {  	[bflag:$0x0] =	sbarrier.arrive $0xFFFF  }
0x1f: {  	p0 =	sne.s32 s2, $0x0;
	_ =	strace $0x90000047  }
0x20: {  	s0 =	sadd.s32 @!p0 $0x100000, s3;
	[bflag:$0x2] =	sbarrier.arrive $0xFFFF  }
0x21: {  	[sflag:s0] =	ssyncadd.tile.s32 @!p0 $0x1;
	_ =	shalt  }
.Lfunc_end2:
_tile_overlayer_lowered:
.L_overlay_start_2:
0x22: {  	(tag) =	ssettag $0x2  }
0x23: {  	s0 =	rddreg [dreg:$0x0];
	s2 =	stileid.u32  }
0x24: {  	s1 =	rddreg [dreg:$0x1];
	p0 =	sne.s32 s2, $0x0  }
0x25: {  	s3 =	rddreg [dreg:$0x2];
	[bflag:$0x3] =	sbarrier.arrive $0xFFFF;
	s2 =	simm.s32 @!p0 $0x1C02  }
0x26: {  	[timem:s3], [sflag:s2] =	dma.local @!p0 [hbm:s0], s1  }
0x27: {  	s0 =	simm.s32 @!p0 $0x2  }
0x28: {  	_ =	swait.ge @!p0 [sflag:s0], s1  }
0x29: {  	s1 =	ssub.s32 @!p0 $0x0, s1;
	[sflag:s0] =	ssyncset.done @!p0 $0x0  }
0x2a: {  	[sflag:s0] =	ssyncadd.s32 @!p0 s1  }
0x2b: {  	[bflag:$0x3] =	sbarrier.arrive $0xFFFF  }
0x2c: {  	_ =	shalt  }

</sc_bundles>
